<compile_context>
chip_gen: v7x
topology: tpu7x:2x2x1
jax: 0.10.2.dev20260603
libtpu: 0.0.44.dev20260713+nightly
codegen_flags: <defaults>
</compile_context>

<pallas_src>
import functools

import jax
import jax.numpy as jnp
from jax import lax
from jax.experimental import pallas as pl
from jax.experimental.pallas import tpu as pltpu
from jax.experimental.pallas import tpu_sc as plsc

_NUM_SEM = 16
_NSEM1 = _NUM_SEM + 1
_ROWS = 8
_SC_LANES = 16


def _sc_lbls(depth_flat, sem_flat):
    n = depth_flat.shape[0]
    nworkers = 32
    chunk = n // nworkers
    mesh = plsc.VectorSubcoreMesh(core_axis_name="c", subcore_axis_name="s")

    @functools.partial(
        pl.kernel, mesh=mesh,
        out_type=jax.ShapeDtypeStruct((n,), jnp.int32),
        scratch_types=[
            pltpu.VMEM((chunk,), jnp.float32),
            pltpu.VMEM((chunk,), jnp.int32),
            pltpu.VMEM((chunk,), jnp.int32),
        ],
    )
    def k(depth_hbm, sem_hbm, out_hbm, dv, sv, ov):
        wid = lax.axis_index("s") * 2 + lax.axis_index("c")
        base = wid * chunk
        pltpu.sync_copy(depth_hbm.at[pl.ds(base, chunk)], dv)
        pltpu.sync_copy(sem_hbm.at[pl.ds(base, chunk)], sv)

        def body(j, carry):
            sl = pl.ds(j * _SC_LANES, _SC_LANES)
            d16 = dv[sl]
            s16 = sv[sl]
            ov[sl] = jnp.where((d16 > 0.1) & (d16 < 10.0), s16, 0)
            return carry

        lax.fori_loop(0, chunk // _SC_LANES, body, 0)
        pltpu.sync_copy(ov, out_hbm.at[pl.ds(base, chunk)])

    return k(depth_flat, sem_flat)


def _mm(a, b):
    return lax.dot_general(a, b, (((1,), (0,)), ((), ())),
                           preferred_element_type=jnp.float32)


def _body(params_ref, depth_ref, sem_ref, embt_ref, w1at_ref, w1bt_ref,
          b1_ref, w2t_ref, b2_ref, w3t_ref, b3_ref,
          pts_ref, feat_ref, *, width, rows):
    i = pl.program_id(0)
    d = depth_ref[0]
    lab = sem_ref[0]
    bsz = d.shape[1]

    valid = (d > 0.1) & (d < 10.0)
    lbl = jnp.where(valid, lab, 0)

    pidx = lax.broadcasted_iota(jnp.int32, (1, bsz), 1)
    colf = (pidx % width).astype(jnp.float32)
    rowf = (i * rows + pidx // width).astype(jnp.float32)
    cx = params_ref[0]
    cy = params_ref[1]
    rfx = params_ref[2]
    rfy = params_ref[3]
    zero = jnp.zeros_like(d)
    x = jnp.where(valid, (colf - cx) * d * rfx, zero)
    y = jnp.where(valid, (rowf - cy) * d * rfy, zero)
    z = jnp.where(valid, d, zero)
    pts_t = jnp.concatenate([x, y, z], axis=0)
    pts_ref[...] = pts_t

    lc = jnp.clip(lbl, 0, _NUM_SEM)
    sem_iota = lax.broadcasted_iota(jnp.int32, (_NSEM1, bsz), 0)
    one_t = jnp.where(sem_iota == lc, 1.0, 0.0).astype(jnp.bfloat16)

    t1t = lax.dot_general(w1bt_ref[...], embt_ref[...],
                          (((1,), (0,)), ((), ())),
                          precision=lax.Precision.HIGHEST,
                          preferred_element_type=jnp.float32)
    h1 = (_mm(w1at_ref[...], pts_t.astype(jnp.bfloat16))
          + _mm(t1t.astype(jnp.bfloat16), one_t) + b1_ref[...])
    h1 = jnp.maximum(h1, 0.0)
    h2 = jnp.maximum(
        _mm(w2t_ref[...], h1.astype(jnp.bfloat16)) + b2_ref[...], 0.0)
    feat_ref[...] = (_mm(w3t_ref[...], h2.astype(jnp.bfloat16))
                     + b3_ref[...])


def kernel(semantic_map, depth, intrinsics, emb_table, w1, b1, w2, b2, w3, b3):
    h, w = depth.shape
    n = h * w
    rows = _ROWS
    bsz = rows * w
    grid = h // rows
    in_dim = 3 + emb_table.shape[1]

    fx, fy = intrinsics[0, 0], intrinsics[1, 1]
    cx, cy = intrinsics[0, 2], intrinsics[1, 2]
    params = jnp.stack([cx, cy, 1.0 / fx, 1.0 / fy]).astype(jnp.float32)

    depth3 = depth.reshape(grid, 1, bsz)
    sem3 = semantic_map.astype(jnp.int32).reshape(grid, 1, bsz)
    embt = emb_table.T
    w1at = w1[:3, :].T.astype(jnp.bfloat16)
    w1bt = w1[3:, :].T
    w2t = w2.T.astype(jnp.bfloat16)
    w3t = w3.T.astype(jnp.bfloat16)
    b1c = b1.reshape(-1, 1)
    b2c = b2.reshape(-1, 1)
    b3c = b3.reshape(-1, 1)

    body = functools.partial(_body, width=w, rows=rows)

    const = lambda *shape: pl.BlockSpec(shape, lambda i: (0,) * len(shape))
    pts_t, feat_t = pl.pallas_call(
        body,
        grid=(grid,),
        in_specs=[
            pl.BlockSpec(memory_space=pltpu.SMEM),
            pl.BlockSpec((1, 1, bsz), lambda i: (i, 0, 0)),
            pl.BlockSpec((1, 1, bsz), lambda i: (i, 0, 0)),
            const(*embt.shape),
            const(*w1at.shape),
            const(*w1bt.shape),
            const(*b1c.shape),
            const(*w2t.shape),
            const(*b2c.shape),
            const(*w3t.shape),
            const(*b3c.shape),
        ],
        out_specs=[
            pl.BlockSpec((3, bsz), lambda i: (0, i)),
            pl.BlockSpec((in_dim, bsz), lambda i: (0, i)),
        ],
        out_shape=[
            jax.ShapeDtypeStruct((3, n), jnp.float32),
            jax.ShapeDtypeStruct((in_dim, n), jnp.float32),
        ],
        compiler_params=pltpu.CompilerParams(
            dimension_semantics=("arbitrary",)),
    )(params, depth3, sem3, embt, w1at, w1bt, b1c, w2t, b2c, w3t, b3c)

    lbls = _sc_lbls(depth.reshape(n), semantic_map.astype(jnp.int32).reshape(n))
    return pts_t.T, lbls, feat_t.T

# --- scband reference (transcript-rebuilt; emitter-appended) ---
"""Pipeline reference for scband-semantic-geometric-aligner-80376017977402 (READ-ONLY COPY).

The authoritative reference and input builder live on the scoring server;
editing this copy changes nothing except your own understanding.
"""

import jax, jax.numpy as jnp
import numpy as np

H, W = 512, 512
NUM_SEM = 16
EMBED = 32


def setup_inputs(seed: int = 0) -> dict:
    key = jax.random.key(seed)
    ks = jax.random.split(key, 8)
    semantic_map = jax.random.randint(ks[0], (H, W), 0, NUM_SEM + 1)
    # depth constrained to (0.5, 5.0) so the valid mask (0.1 < d < 10.0) is all-True
    depth = jax.random.uniform(ks[1], (H, W), dtype=jnp.float32, minval=0.5, maxval=5.0)
    intrinsics = jnp.array([[500.0, 0.0, W / 2.0], [0.0, 500.0, H / 2.0], [0.0, 0.0, 1.0]], dtype=jnp.float32)
    in_dim = 3 + EMBED
    emb_table = jax.random.normal(ks[2], (NUM_SEM + 1, EMBED), dtype=jnp.float32)
    w1 = jax.random.normal(ks[3], (in_dim, 64), dtype=jnp.float32) * (1.0 / np.sqrt(in_dim))
    b1 = jnp.zeros((64,), dtype=jnp.float32)
    w2 = jax.random.normal(ks[4], (64, 32), dtype=jnp.float32) * (1.0 / np.sqrt(64))
    b2 = jnp.zeros((32,), dtype=jnp.float32)
    w3 = jax.random.normal(ks[5], (32, in_dim), dtype=jnp.float32) * (1.0 / np.sqrt(32))
    b3 = jnp.zeros((in_dim,), dtype=jnp.float32)
    return {"semantic_map": semantic_map, "depth": depth, "intrinsics": intrinsics,
            "emb_table": emb_table, "w1": w1, "b1": b1, "w2": w2, "b2": b2, "w3": w3, "b3": b3}


def reference(semantic_map, depth, intrinsics, emb_table, w1, b1, w2, b2, w3, b3):
    h, w = depth.shape
    v, u = jnp.meshgrid(jnp.arange(h, dtype=jnp.float32), jnp.arange(w, dtype=jnp.float32), indexing="ij")
    fx, fy = intrinsics[0, 0], intrinsics[1, 1]
    cx, cy = intrinsics[0, 2], intrinsics[1, 2]
    x = (u - cx) * depth / fx
    y = (v - cy) * depth / fy
    points_3d = jnp.stack([x, y, depth], axis=-1)  # (H, W, 3)
    labels = semantic_map.astype(jnp.int32)
    valid = (depth > 0.1) & (depth < 10.0)
    # Static-shape equivalent of boolean masking: inputs guarantee mask is all-True,
    # so masking reduces to a flatten. Invalid entries (none here) are zeroed.
    mask_flat = valid.reshape(-1)
    pts = jnp.where(mask_flat[:, None], points_3d.reshape(-1, 3), 0.0)  # (N, 3)
    lbls = jnp.where(mask_flat, labels.reshape(-1), 0)  # (N,)
    sem = jnp.take(emb_table, jnp.clip(lbls, 0, NUM_SEM), axis=0)  # embedding lookup
    combined = jnp.concatenate([pts, sem], axis=1)
    hdn = jax.nn.relu(combined @ w1 + b1)
    hdn = jax.nn.relu(hdn @ w2 + b2)
    features = hdn @ w3 + b3
    return pts, lbls, features

if __name__ == "__main__":
    import jax
    _d = setup_inputs()
    print(jax.jit(kernel)(*tuple(_d.values())))

</pallas_src>

<mosaic_0001>
#map = affine_map<(d0, d1) -> (0)>
module attributes {stable_mosaic.version = 14 : i64} {
  func.func @k(%arg0: i32, %arg1: i32, %arg2: memref<262144xf32, #tpu.memory_space<hbm>>, %arg3: memref<262144xi32, #tpu.memory_space<hbm>>, %arg4: memref<262144xi32, #tpu.memory_space<hbm>>, %arg5: memref<8192xf32, #tpu.memory_space<vmem>>, %arg6: memref<8192xi32, #tpu.memory_space<vmem>>, %arg7: memref<8192xi32, #tpu.memory_space<vmem>>) attributes {dimension_semantics = [#tpu.dimension_semantics<core_parallel>, #tpu.dimension_semantics<subcore_parallel>], iteration_bounds = array<i64: 2, 16>, scalar_prefetch = 0 : i64, scratch_operands = 3 : i64, tpu.core_type = #tpu.core_type<sc_vector_subcore>, window_params = [{transform_indices = #map}, {transform_indices = #map}, {transform_indices = #map}]} {
    %mul3A = arith.constant 2 : i32
    %mul3A_0 = arith.muli %arg1, %mul3A : i32
    %add3A = arith.addi %mul3A_0, %arg0 : i32
    %mul3A_1 = arith.constant 8192 : i32
    %mul3A_2 = arith.muli %add3A, %mul3A_1 : i32
    "tpu.region"() ({
      %run_scoped3A = tpu.sem_alloc : memref<!tpu.dma_semaphore, #tpu.memory_space<semaphore_mem>>
      %dma_start3A = tpu.memref_slice %arg2[%mul3A_2] : memref<262144xf32, #tpu.memory_space<hbm>> -> memref<8192xf32, #tpu.memory_space<hbm>>
      %dma_start3A_8 = tpu.memref_slice %arg2[%mul3A_2] : memref<262144xf32, #tpu.memory_space<hbm>> -> memref<8192xf32, #tpu.memory_space<hbm>>
      tpu.enqueue_dma source(%dma_start3A_8 : memref<8192xf32, #tpu.memory_space<hbm>>) target(%arg5 : memref<8192xf32, #tpu.memory_space<vmem>>) target_semaphore(%run_scoped3A : memref<!tpu.dma_semaphore, #tpu.memory_space<semaphore_mem>>)
      %dma_wait3A = tpu.memref_slice %arg2[%mul3A_2] : memref<262144xf32, #tpu.memory_space<hbm>> -> memref<8192xf32, #tpu.memory_space<hbm>>
      %dma_wait3A_9 = tpu.memref_slice %arg2[%mul3A_2] : memref<262144xf32, #tpu.memory_space<hbm>> -> memref<8192xf32, #tpu.memory_space<hbm>>
      tpu.wait_dma2 semaphore(%run_scoped3A : memref<!tpu.dma_semaphore, #tpu.memory_space<semaphore_mem>>) src(%dma_wait3A_9 : memref<8192xf32, #tpu.memory_space<hbm>>) dst(%arg5 : memref<8192xf32, #tpu.memory_space<vmem>>)
      tpu.yield
    }) : () -> ()
    "tpu.region"() ({
      %run_scoped3A = tpu.sem_alloc : memref<!tpu.dma_semaphore, #tpu.memory_space<semaphore_mem>>
      %dma_start3A = tpu.memref_slice %arg3[%mul3A_2] : memref<262144xi32, #tpu.memory_space<hbm>> -> memref<8192xi32, #tpu.memory_space<hbm>>
      %dma_start3A_8 = tpu.memref_slice %arg3[%mul3A_2] : memref<262144xi32, #tpu.memory_space<hbm>> -> memref<8192xi32, #tpu.memory_space<hbm>>
      tpu.enqueue_dma source(%dma_start3A_8 : memref<8192xi32, #tpu.memory_space<hbm>>) target(%arg6 : memref<8192xi32, #tpu.memory_space<vmem>>) target_semaphore(%run_scoped3A : memref<!tpu.dma_semaphore, #tpu.memory_space<semaphore_mem>>)
      %dma_wait3A = tpu.memref_slice %arg3[%mul3A_2] : memref<262144xi32, #tpu.memory_space<hbm>> -> memref<8192xi32, #tpu.memory_space<hbm>>
      %dma_wait3A_9 = tpu.memref_slice %arg3[%mul3A_2] : memref<262144xi32, #tpu.memory_space<hbm>> -> memref<8192xi32, #tpu.memory_space<hbm>>
      tpu.wait_dma2 semaphore(%run_scoped3A : memref<!tpu.dma_semaphore, #tpu.memory_space<semaphore_mem>>) src(%dma_wait3A_9 : memref<8192xi32, #tpu.memory_space<hbm>>) dst(%arg6 : memref<8192xi32, #tpu.memory_space<vmem>>)
      tpu.yield
    }) : () -> ()
    %scan3A = arith.constant 0 : i32
    %scan3A_3 = arith.constant 0 : i32
    %scan3A_4 = arith.constant 512 : i32
    %scan3A_5 = arith.addi %scan3A_3, %scan3A_4 : i32
    %scan3A_6 = arith.constant 1 : i32
    scf.for %scan3A_8 = %scan3A_3 to %scan3A_5 step %scan3A_6  : i32 {
      %mul3A_9 = arith.constant 16 : i32
      %mul3A_10 = arith.muli %scan3A_8, %mul3A_9 : i32
      %get3A = arith.index_cast %mul3A_10 : i32 to index
      %get3A_11 = tpu.vector_load %arg5[%get3A] {strides = array<i32>} : memref<8192xf32, #tpu.memory_space<vmem>>, vector<16xf32>,
      %get3A_12 = vector.shape_cast %get3A_11 : vector<16xf32> to vector<16xf32>
      %get3A_13 = arith.index_cast %mul3A_10 : i32 to index
      %get3A_14 = tpu.vector_load %arg6[%get3A_13] {strides = array<i32>} : memref<8192xi32, #tpu.memory_space<vmem>>, vector<16xi32>,
      %get3A_15 = vector.shape_cast %get3A_14 : vector<16xi32> to vector<16xi32>
      %gt3A = arith.constant 1.000000e-01 : f32
      %gt3A_16 = vector.broadcast %gt3A : f32 to vector<16xf32>
      %gt3A_17 = arith.cmpf ogt, %get3A_12, %gt3A_16 : vector<16xf32>
      %lt3A = arith.constant 1.000000e+01 : f32
      %lt3A_18 = vector.broadcast %lt3A : f32 to vector<16xf32>
      %lt3A_19 = arith.cmpf olt, %get3A_12, %lt3A_18 : vector<16xf32>
      %and3A = arith.andi %gt3A_17, %lt3A_19 : vector<16xi1>
      %jit3A = arith.constant 0 : i32
      %broadcast_in_dim3A = vector.broadcast %jit3A : i32 to vector<16xi32>
      %select_n3A = arith.select %and3A, %get3A_15, %broadcast_in_dim3A : vector<16xi1>, vector<16xi32>
      %swap3A = arith.index_cast %mul3A_10 : i32 to index
      %swap3A_20 = tpu.vector_load %arg7[%swap3A] {strides = array<i32>} : memref<8192xi32, #tpu.memory_space<vmem>>, vector<16xi32>,
      %swap3A_21 = vector.shape_cast %swap3A_20 : vector<16xi32> to vector<16xi32>
      %swap3A_22 = vector.shape_cast %select_n3A : vector<16xi32> to vector<16xi32>
      tpu.vector_store %arg7[%swap3A], %swap3A_22 {strides = array<i32>} : memref<8192xi32, #tpu.memory_space<vmem>>, vector<16xi32>,
    }
    %scan3A_7 = arith.constant 512 : i32
    "tpu.region"() ({
      %run_scoped3A = tpu.sem_alloc : memref<!tpu.dma_semaphore, #tpu.memory_space<semaphore_mem>>
      %dma_start3A = tpu.memref_slice %arg4[%mul3A_2] : memref<262144xi32, #tpu.memory_space<hbm>> -> memref<8192xi32, #tpu.memory_space<hbm>>
      %dma_start3A_8 = tpu.memref_slice %arg4[%mul3A_2] : memref<262144xi32, #tpu.memory_space<hbm>> -> memref<8192xi32, #tpu.memory_space<hbm>>
      tpu.enqueue_dma source(%arg7 : memref<8192xi32, #tpu.memory_space<vmem>>) target(%dma_start3A_8 : memref<8192xi32, #tpu.memory_space<hbm>>) target_semaphore(%run_scoped3A : memref<!tpu.dma_semaphore, #tpu.memory_space<semaphore_mem>>)
      %dma_wait3A = tpu.memref_slice %arg4[%mul3A_2] : memref<262144xi32, #tpu.memory_space<hbm>> -> memref<8192xi32, #tpu.memory_space<hbm>>
      %dma_wait3A_9 = tpu.memref_slice %arg4[%mul3A_2] : memref<262144xi32, #tpu.memory_space<hbm>> -> memref<8192xi32, #tpu.memory_space<hbm>>
      tpu.wait_dma2 semaphore(%run_scoped3A : memref<!tpu.dma_semaphore, #tpu.memory_space<semaphore_mem>>) src(%arg7 : memref<8192xi32, #tpu.memory_space<vmem>>) dst(%dma_wait3A_9 : memref<8192xi32, #tpu.memory_space<hbm>>)
      tpu.yield
    }) : () -> ()
    return
  }
}

module attributes {stable_mosaic.version = 14 : i64} {
  func.func @_body(%arg0: i32, %arg1: memref<4xf32, #tpu.memory_space<smem>>, %arg2: memref<1x1x4096xf32, #tpu.memory_space<vmem>>, %arg3: memref<1x1x4096xi32, #tpu.memory_space<vmem>>, %arg4: memref<32x17xf32, #tpu.memory_space<vmem>>, %arg5: memref<64x3xbf16, #tpu.memory_space<vmem>>, %arg6: memref<64x32xf32, #tpu.memory_space<vmem>>, %arg7: memref<64x1xf32, #tpu.memory_space<vmem>>, %arg8: memref<32x64xbf16, #tpu.memory_space<vmem>>, %arg9: memref<32x1xf32, #tpu.memory_space<vmem>>, %arg10: memref<35x32xbf16, #tpu.memory_space<vmem>>, %arg11: memref<35x1xf32, #tpu.memory_space<vmem>>, %arg12: memref<3x4096xf32, #tpu.memory_space<vmem>>, %arg13: memref<35x4096xf32, #tpu.memory_space<vmem>>) attributes {dimension_semantics = [#tpu.dimension_semantics<arbitrary>], iteration_bounds = array<i64: 64>, scalar_prefetch = 0 : i64, scratch_operands = 0 : i64, tpu.core_type = #tpu.core_type<tc>, window_params = [{transform_indices = @transform_0, window_bounds = array<i64: 4>}, {transform_indices = @transform_1, window_bounds = array<i64: 1, 1, 4096>}, {transform_indices = @transform_2, window_bounds = array<i64: 1, 1, 4096>}, {pipeline_mode = #tpu.pipeline_mode<synchronous>, transform_indices = @transform_3, window_bounds = array<i64: 32, 17>}, {pipeline_mode = #tpu.pipeline_mode<synchronous>, transform_indices = @transform_4, window_bounds = array<i64: 64, 3>}, {pipeline_mode = #tpu.pipeline_mode<synchronous>, transform_indices = @transform_5, window_bounds = array<i64: 64, 32>}, {pipeline_mode = #tpu.pipeline_mode<synchronous>, transform_indices = @transform_6, window_bounds = array<i64: 64, 1>}, {pipeline_mode = #tpu.pipeline_mode<synchronous>, transform_indices = @transform_7, window_bounds = array<i64: 32, 64>}, {pipeline_mode = #tpu.pipeline_mode<synchronous>, transform_indices = @transform_8, window_bounds = array<i64: 32, 1>}, {pipeline_mode = #tpu.pipeline_mode<synchronous>, transform_indices = @transform_9, window_bounds = array<i64: 35, 32>}, {pipeline_mode = #tpu.pipeline_mode<synchronous>, transform_indices = @transform_10, window_bounds = array<i64: 35, 1>}, {transform_indices = @transform_11, window_bounds = array<i64: 3, 4096>}, {transform_indices = @transform_12, window_bounds = array<i64: 35, 4096>}]} {
    %get3A = arith.constant 0 : index
    %get3A_0 = arith.constant 0 : index
    %get3A_1 = arith.constant 0 : index
    %get3A_2 = vector.load %arg2[%get3A, %get3A_0, %get3A_1] : memref<1x1x4096xf32, #tpu.memory_space<vmem>>, vector<1x1x4096xf32>
    %get3A_3 = vector.shape_cast %get3A_2 : vector<1x1x4096xf32> to vector<1x4096xf32>
    %get3A_4 = arith.constant 0 : index
    %get3A_5 = arith.constant 0 : index
    %get3A_6 = arith.constant 0 : index
    %get3A_7 = vector.load %arg3[%get3A_4, %get3A_5, %get3A_6] : memref<1x1x4096xi32, #tpu.memory_space<vmem>>, vector<1x1x4096xi32>
    %get3A_8 = vector.shape_cast %get3A_7 : vector<1x1x4096xi32> to vector<1x4096xi32>
    %gt3A = arith.constant 1.000000e-01 : f32
    %gt3A_9 = vector.broadcast %gt3A : f32 to vector<1x4096xf32>
    %gt3A_10 = arith.cmpf ogt, %get3A_3, %gt3A_9 : vector<1x4096xf32>
    %lt3A = arith.constant 1.000000e+01 : f32
    %lt3A_11 = vector.broadcast %lt3A : f32 to vector<1x4096xf32>
    %lt3A_12 = arith.cmpf olt, %get3A_3, %lt3A_11 : vector<1x4096xf32>
    %and3A = arith.andi %gt3A_10, %lt3A_12 : vector<1x4096xi1>
    %jit3A = arith.constant 0 : i32
    %broadcast_in_dim3A = vector.broadcast %jit3A : i32 to vector<1x4096xi32>
    %select_n3A = arith.select %and3A, %get3A_8, %broadcast_in_dim3A : vector<1x4096xi1>, vector<1x4096xi32>
    %iota3A = tpu.iota {dimensions = array<i32: 1>} : vector<1x4096xi32>
    %jit3A_13 = arith.constant 512 : i32
    %eq3A = arith.constant 0 : i32
    %eq3A_14 = arith.cmpi eq, %jit3A_13, %eq3A : i32
    %jit3A_15 = arith.constant 1 : i32
    %select_n3A_16 = arith.select %eq3A_14, %jit3A_15, %jit3A_13 : i32
    %rem3A = vector.broadcast %select_n3A_16 : i32 to vector<1x4096xi32>
    %rem3A_17 = arith.remsi %iota3A, %rem3A : vector<1x4096xi32>
    %ne3A = arith.constant 0 : i32
    %ne3A_18 = vector.broadcast %ne3A : i32 to vector<1x4096xi32>
    %ne3A_19 = arith.cmpi ne, %rem3A_17, %ne3A_18 : vector<1x4096xi32>
    %lt3A_20 = arith.constant 0 : i32
    %lt3A_21 = vector.broadcast %lt3A_20 : i32 to vector<1x4096xi32>
    %lt3A_22 = arith.cmpi slt, %rem3A_17, %lt3A_21 : vector<1x4096xi32>
    %lt3A_23 = arith.constant 0 : i32
    %lt3A_24 = arith.cmpi slt, %select_n3A_16, %lt3A_23 : i32
    %ne3A_25 = vector.broadcast %lt3A_24 : i1 to vector<1x4096xi1>
    %ne3A_26 = vector.broadcast %ne3A_25 : vector<1x4096xi1> to vector<1x4096xi1>
    %ne3A_27 = arith.xori %lt3A_22, %ne3A_26 : vector<1x4096xi1>
    %and3A_28 = arith.andi %ne3A_27, %ne3A_19 : vector<1x4096xi1>
    %add3A = vector.broadcast %select_n3A_16 : i32 to vector<1x4096xi32>
    %add3A_29 = arith.addi %rem3A_17, %add3A : vector<1x4096xi32>
    %select_n3A_30 = arith.select %and3A_28, %add3A_29, %rem3A_17 : vector<1x4096xi1>, vector<1x4096xi32>
    %convert_element_type3A = arith.sitofp %select_n3A_30 : vector<1x4096xi32> to vector<1x4096xf32>
    %mul3A = arith.constant 8 : i32
    %mul3A_31 = arith.muli %arg0, %mul3A : i32
    %jit3A_32 = arith.constant 512 : i32
    %div3A = vector.broadcast %jit3A_32 : i32 to vector<1x4096xi32>
    %div3A_33 = arith.divsi %iota3A, %div3A : vector<1x4096xi32>
    %sign3A = arith.constant 0 : i32
    %sign3A_34 = vector.broadcast %sign3A : i32 to vector<1x4096xi32>
    %sign3A_35 = arith.cmpi sgt, %iota3A, %sign3A_34 : vector<1x4096xi32>
    %sign3A_36 = arith.extui %sign3A_35 : vector<1x4096xi1> to vector<1x4096xi32>
    %sign3A_37 = arith.constant 0 : i32
    %sign3A_38 = vector.broadcast %sign3A_37 : i32 to vector<1x4096xi32>
    %sign3A_39 = arith.cmpi slt, %iota3A, %sign3A_38 : vector<1x4096xi32>
    %sign3A_40 = arith.extui %sign3A_39 : vector<1x4096xi1> to vector<1x4096xi32>
    %sign3A_41 = arith.subi %sign3A_36, %sign3A_40 : vector<1x4096xi32>
    %sign3A_42 = arith.constant 0 : i32
    %sign3A_43 = arith.cmpi sgt, %jit3A_32, %sign3A_42 : i32
    %sign3A_44 = arith.extui %sign3A_43 : i1 to i32
    %sign3A_45 = arith.constant 0 : i32
    %sign3A_46 = arith.cmpi slt, %jit3A_32, %sign3A_45 : i32
    %sign3A_47 = arith.extui %sign3A_46 : i1 to i32
    %sign3A_48 = arith.subi %sign3A_44, %sign3A_47 : i32
    %ne3A_49 = vector.broadcast %sign3A_48 : i32 to vector<1x4096xi32>
    %ne3A_50 = arith.cmpi ne, %sign3A_41, %ne3A_49 : vector<1x4096xi32>
    %rem3A_51 = vector.broadcast %jit3A_32 : i32 to vector<1x4096xi32>
    %rem3A_52 = arith.remsi %iota3A, %rem3A_51 : vector<1x4096xi32>
    %ne3A_53 = arith.constant 0 : i32
    %ne3A_54 = vector.broadcast %ne3A_53 : i32 to vector<1x4096xi32>
    %ne3A_55 = arith.cmpi ne, %rem3A_52, %ne3A_54 : vector<1x4096xi32>
    %and3A_56 = arith.andi %ne3A_50, %ne3A_55 : vector<1x4096xi1>
    %sub3A = arith.constant 1 : i32
    %sub3A_57 = vector.broadcast %sub3A : i32 to vector<1x4096xi32>
    %sub3A_58 = arith.subi %div3A_33, %sub3A_57 : vector<1x4096xi32>
    %select_n3A_59 = arith.select %and3A_56, %sub3A_58, %div3A_33 : vector<1x4096xi1>, vector<1x4096xi32>
    %add3A_60 = vector.broadcast %mul3A_31 : i32 to vector<1x4096xi32>
    %add3A_61 = arith.addi %add3A_60, %select_n3A_59 : vector<1x4096xi32>
    %convert_element_type3A_62 = arith.sitofp %add3A_61 : vector<1x4096xi32> to vector<1x4096xf32>
    %get3A_63 = arith.constant 0 : index
    %get3A_64 = memref.load %arg1[%get3A_63] : memref<4xf32, #tpu.memory_space<smem>>
    %get3A_65 = arith.constant 1 : index
    %get3A_66 = memref.load %arg1[%get3A_65] : memref<4xf32, #tpu.memory_space<smem>>
    %get3A_67 = arith.constant 2 : index
    %get3A_68 = memref.load %arg1[%get3A_67] : memref<4xf32, #tpu.memory_space<smem>>
    %get3A_69 = arith.constant 3 : index
    %get3A_70 = memref.load %arg1[%get3A_69] : memref<4xf32, #tpu.memory_space<smem>>
    %broadcast_in_dim3A_71 = arith.constant 0.000000e+00 : f32
    %broadcast_in_dim3A_72 = vector.broadcast %broadcast_in_dim3A_71 : f32 to vector<1x4096xf32>
    %sub3A_73 = vector.broadcast %get3A_64 : f32 to vector<1x4096xf32>
    %sub3A_74 = arith.subf %convert_element_type3A, %sub3A_73 : vector<1x4096xf32>
    %mul3A_75 = arith.mulf %sub3A_74, %get3A_3 : vector<1x4096xf32>
    %mul3A_76 = vector.broadcast %get3A_68 : f32 to vector<1x4096xf32>
    %mul3A_77 = arith.mulf %mul3A_75, %mul3A_76 : vector<1x4096xf32>
    %select_n3A_78 = arith.select %and3A, %mul3A_77, %broadcast_in_dim3A_72 : vector<1x4096xi1>, vector<1x4096xf32>
    %sub3A_79 = vector.broadcast %get3A_66 : f32 to vector<1x4096xf32>
    %sub3A_80 = arith.subf %convert_element_type3A_62, %sub3A_79 : vector<1x4096xf32>
    %mul3A_81 = arith.mulf %sub3A_80, %get3A_3 : vector<1x4096xf32>
    %mul3A_82 = vector.broadcast %get3A_70 : f32 to vector<1x4096xf32>
    %mul3A_83 = arith.mulf %mul3A_81, %mul3A_82 : vector<1x4096xf32>
    %select_n3A_84 = arith.select %and3A, %mul3A_83, %broadcast_in_dim3A_72 : vector<1x4096xi1>, vector<1x4096xf32>
    %select_n3A_85 = arith.select %and3A, %get3A_3, %broadcast_in_dim3A_72 : vector<1x4096xi1>, vector<1x4096xf32>
    %concatenate3A = tpu.concatenate %select_n3A_78, %select_n3A_84, %select_n3A_85 in 0 : vector<1x4096xf32>, vector<1x4096xf32>, vector<1x4096xf32> -> vector<3x4096xf32>
    %swap3A = arith.constant 0 : index
    %swap3A_86 = arith.constant 0 : index
    %swap3A_87 = vector.load %arg12[%swap3A, %swap3A_86] : memref<3x4096xf32, #tpu.memory_space<vmem>>, vector<3x4096xf32>
    tpu.vector_store %arg12[%swap3A, %swap3A_86], %concatenate3A {strides = array<i32>} : memref<3x4096xf32, #tpu.memory_space<vmem>>, vector<3x4096xf32>,
    %jit3A_88 = arith.constant 0 : i32
    %jit3A_89 = arith.constant 16 : i32
    %max3A = vector.broadcast %jit3A_88 : i32 to vector<1x4096xi32>
    %max3A_90 = arith.maxsi %max3A, %select_n3A : vector<1x4096xi32>
    %min3A = vector.broadcast %jit3A_89 : i32 to vector<1x4096xi32>
    %min3A_91 = arith.minsi %min3A, %max3A_90 : vector<1x4096xi32>
    %iota3A_92 = tpu.iota {dimensions = array<i32: 0>} : vector<17x4096xi32>
    %eq3A_93 = vector.broadcast %min3A_91 : vector<1x4096xi32> to vector<17x4096xi32>
    %eq3A_94 = arith.cmpi eq, %iota3A_92, %eq3A_93 : vector<17x4096xi32>
    %jit3A_95 = arith.constant 1.000000e+00 : f32
    %jit3A_96 = arith.constant 0.000000e+00 : f32
    %broadcast_in_dim3A_97 = vector.broadcast %jit3A_95 : f32 to vector<17x4096xf32>
    %broadcast_in_dim3A_98 = vector.broadcast %jit3A_96 : f32 to vector<17x4096xf32>
    %select_n3A_99 = arith.select %eq3A_94, %broadcast_in_dim3A_97, %broadcast_in_dim3A_98 : vector<17x4096xi1>, vector<17x4096xf32>
    %convert_element_type3A_100 = arith.truncf %select_n3A_99 : vector<17x4096xf32> to vector<17x4096xbf16>
    %get3A_101 = arith.constant 0 : index
    %get3A_102 = arith.constant 0 : index
    %get3A_103 = vector.load %arg6[%get3A_101, %get3A_102] : memref<64x32xf32, #tpu.memory_space<vmem>>, vector<64x32xf32>
    %get3A_104 = arith.constant 0 : index
    %get3A_105 = arith.constant 0 : index
    %get3A_106 = vector.load %arg4[%get3A_104, %get3A_105] : memref<32x17xf32, #tpu.memory_space<vmem>>, vector<32x17xf32>
    %dot_general3A = arith.constant dense<0.000000e+00> : vector<64x17xf32>
    %dot_general3A_107 = tpu.matmul %get3A_103, %get3A_106, %dot_general3A {dimension_numbers = #tpu.dot_dimension_numbers<[1], [0], [0], [1], [0, 0, 1, 1], [], []>, precision = #tpu.contract_precision<fp32>, transpose_lhs_hint = false} : vector<64x32xf32>, vector<32x17xf32>, vector<64x17xf32> -> vector<64x17xf32>
    %get3A_108 = arith.constant 0 : index
    %get3A_109 = arith.constant 0 : index
    %get3A_110 = vector.load %arg5[%get3A_108, %get3A_109] : memref<64x3xbf16, #tpu.memory_space<vmem>>, vector<64x3xbf16>
    %convert_element_type3A_111 = arith.truncf %concatenate3A : vector<3x4096xf32> to vector<3x4096xbf16>
    %dot_general3A_112 = arith.constant dense<0.000000e+00> : vector<64x4096xf32>
    %dot_general3A_113 = tpu.matmul %get3A_110, %convert_element_type3A_111, %dot_general3A_112 {dimension_numbers = #tpu.dot_dimension_numbers<[1], [0], [0], [1], [0, 0, 1, 1], [], []>, transpose_lhs_hint = false} : vector<64x3xbf16>, vector<3x4096xbf16>, vector<64x4096xf32> -> vector<64x4096xf32>
    %convert_element_type3A_114 = arith.truncf %dot_general3A_107 : vector<64x17xf32> to vector<64x17xbf16>
    %dot_general3A_115 = arith.constant dense<0.000000e+00> : vector<64x4096xf32>
    %dot_general3A_116 = tpu.matmul %convert_element_type3A_114, %convert_element_type3A_100, %dot_general3A_115 {dimension_numbers = #tpu.dot_dimension_numbers<[1], [0], [0], [1], [0, 0, 1, 1], [], []>, transpose_lhs_hint = false} : vector<64x17xbf16>, vector<17x4096xbf16>, vector<64x4096xf32> -> vector<64x4096xf32>
    %add3A_117 = arith.addf %dot_general3A_113, %dot_general3A_116 : vector<64x4096xf32>
    %get3A_118 = arith.constant 0 : index
    %get3A_119 = arith.constant 0 : index
    %get3A_120 = vector.load %arg7[%get3A_118, %get3A_119] : memref<64x1xf32, #tpu.memory_space<vmem>>, vector<64x1xf32>
    %add3A_121 = vector.broadcast %get3A_120 : vector<64x1xf32> to vector<64x4096xf32>
    %add3A_122 = arith.addf %add3A_117, %add3A_121 : vector<64x4096xf32>
    %max3A_123 = arith.constant 0.000000e+00 : f32
    %max3A_124 = vector.broadcast %max3A_123 : f32 to vector<64x4096xf32>
    %max3A_125 = arith.maximumf %add3A_122, %max3A_124 : vector<64x4096xf32>
    %get3A_126 = arith.constant 0 : index
    %get3A_127 = arith.constant 0 : index
    %get3A_128 = vector.load %arg8[%get3A_126, %get3A_127] : memref<32x64xbf16, #tpu.memory_space<vmem>>, vector<32x64xbf16>
    %convert_element_type3A_129 = arith.truncf %max3A_125 : vector<64x4096xf32> to vector<64x4096xbf16>
    %dot_general3A_130 = arith.constant dense<0.000000e+00> : vector<32x4096xf32>
    %dot_general3A_131 = tpu.matmul %get3A_128, %convert_element_type3A_129, %dot_general3A_130 {dimension_numbers = #tpu.dot_dimension_numbers<[1], [0], [0], [1], [0, 0, 1, 1], [], []>, transpose_lhs_hint = false} : vector<32x64xbf16>, vector<64x4096xbf16>, vector<32x4096xf32> -> vector<32x4096xf32>
    %get3A_132 = arith.constant 0 : index
    %get3A_133 = arith.constant 0 : index
    %get3A_134 = vector.load %arg9[%get3A_132, %get3A_133] : memref<32x1xf32, #tpu.memory_space<vmem>>, vector<32x1xf32>
    %add3A_135 = vector.broadcast %get3A_134 : vector<32x1xf32> to vector<32x4096xf32>
    %add3A_136 = arith.addf %dot_general3A_131, %add3A_135 : vector<32x4096xf32>
    %max3A_137 = arith.constant 0.000000e+00 : f32
    %max3A_138 = vector.broadcast %max3A_137 : f32 to vector<32x4096xf32>
    %max3A_139 = arith.maximumf %add3A_136, %max3A_138 : vector<32x4096xf32>
    %get3A_140 = arith.constant 0 : index
    %get3A_141 = arith.constant 0 : index
    %get3A_142 = vector.load %arg10[%get3A_140, %get3A_141] : memref<35x32xbf16, #tpu.memory_space<vmem>>, vector<35x32xbf16>
    %convert_element_type3A_143 = arith.truncf %max3A_139 : vector<32x4096xf32> to vector<32x4096xbf16>
    %dot_general3A_144 = arith.constant dense<0.000000e+00> : vector<35x4096xf32>
    %dot_general3A_145 = tpu.matmul %get3A_142, %convert_element_type3A_143, %dot_general3A_144 {dimension_numbers = #tpu.dot_dimension_numbers<[1], [0], [0], [1], [0, 0, 1, 1], [], []>, transpose_lhs_hint = false} : vector<35x32xbf16>, vector<32x4096xbf16>, vector<35x4096xf32> -> vector<35x4096xf32>
    %get3A_146 = arith.constant 0 : index
    %get3A_147 = arith.constant 0 : index
    %get3A_148 = vector.load %arg11[%get3A_146, %get3A_147] : memref<35x1xf32, #tpu.memory_space<vmem>>, vector<35x1xf32>
    %add3A_149 = vector.broadcast %get3A_148 : vector<35x1xf32> to vector<35x4096xf32>
    %add3A_150 = arith.addf %dot_general3A_145, %add3A_149 : vector<35x4096xf32>
    %swap3A_151 = arith.constant 0 : index
    %swap3A_152 = arith.constant 0 : index
    %swap3A_153 = vector.load %arg13[%swap3A_151, %swap3A_152] : memref<35x4096xf32, #tpu.memory_space<vmem>>, vector<35x4096xf32>
    tpu.vector_store %arg13[%swap3A_151, %swap3A_152], %add3A_150 {strides = array<i32>} : memref<35x4096xf32, #tpu.memory_space<vmem>>, vector<35x4096xf32>,
    return
  }
  func.func @transform_0(%arg0: i32) -> i32 {
    %c0_i32 = arith.constant 0 : i32
    %c0_i32_0 = arith.constant 0 : i32
    return %c0_i32 : i32
  }
  func.func @transform_1(%arg0: i32) -> (i32, i32, i32) {
    %c0_i32 = arith.constant 0 : i32
    %c0_i32_0 = arith.constant 0 : i32
    %c0_i32_1 = arith.constant 0 : i32
    return %arg0, %c0_i32, %c0_i32_0 : i32, i32, i32
  }
  func.func @transform_2(%arg0: i32) -> (i32, i32, i32) {
    %c0_i32 = arith.constant 0 : i32
    %c0_i32_0 = arith.constant 0 : i32
    %c0_i32_1 = arith.constant 0 : i32
    return %arg0, %c0_i32, %c0_i32_0 : i32, i32, i32
  }
  func.func @transform_3(%arg0: i32) -> (i32, i32) {
    %c0_i32 = arith.constant 0 : i32
    %c0_i32_0 = arith.constant 0 : i32
    %c0_i32_1 = arith.constant 0 : i32
    return %c0_i32, %c0_i32_0 : i32, i32
  }
  func.func @transform_4(%arg0: i32) -> (i32, i32) {
    %c0_i32 = arith.constant 0 : i32
    %c0_i32_0 = arith.constant 0 : i32
    %c0_i32_1 = arith.constant 0 : i32
    return %c0_i32, %c0_i32_0 : i32, i32
  }
  func.func @transform_5(%arg0: i32) -> (i32, i32) {
    %c0_i32 = arith.constant 0 : i32
    %c0_i32_0 = arith.constant 0 : i32
    %c0_i32_1 = arith.constant 0 : i32
    return %c0_i32, %c0_i32_0 : i32, i32
  }
  func.func @transform_6(%arg0: i32) -> (i32, i32) {
    %c0_i32 = arith.constant 0 : i32
    %c0_i32_0 = arith.constant 0 : i32
    %c0_i32_1 = arith.constant 0 : i32
    return %c0_i32, %c0_i32_0 : i32, i32
  }
  func.func @transform_7(%arg0: i32) -> (i32, i32) {
    %c0_i32 = arith.constant 0 : i32
    %c0_i32_0 = arith.constant 0 : i32
    %c0_i32_1 = arith.constant 0 : i32
    return %c0_i32, %c0_i32_0 : i32, i32
  }
  func.func @transform_8(%arg0: i32) -> (i32, i32) {
    %c0_i32 = arith.constant 0 : i32
    %c0_i32_0 = arith.constant 0 : i32
    %c0_i32_1 = arith.constant 0 : i32
    return %c0_i32, %c0_i32_0 : i32, i32
  }
  func.func @transform_9(%arg0: i32) -> (i32, i32) {
    %c0_i32 = arith.constant 0 : i32
    %c0_i32_0 = arith.constant 0 : i32
    %c0_i32_1 = arith.constant 0 : i32
    return %c0_i32, %c0_i32_0 : i32, i32
  }
  func.func @transform_10(%arg0: i32) -> (i32, i32) {
    %c0_i32 = arith.constant 0 : i32
    %c0_i32_0 = arith.constant 0 : i32
    %c0_i32_1 = arith.constant 0 : i32
    return %c0_i32, %c0_i32_0 : i32, i32
  }
  func.func @transform_11(%arg0: i32) -> (i32, i32) {
    %c0_i32 = arith.constant 0 : i32
    %c0_i32_0 = arith.constant 0 : i32
    return %c0_i32, %arg0 : i32, i32
  }
  func.func @transform_12(%arg0: i32) -> (i32, i32) {
    %c0_i32 = arith.constant 0 : i32
    %c0_i32_0 = arith.constant 0 : i32
    return %c0_i32, %arg0 : i32, i32
  }
}

</mosaic_0001>

<sc_bundles>
// kernel: kernel.4.cloned.1.call-start
scs
__scs_entry_jumppad:
0x0: {  	(pc) =	sbr.rel $0x88, $3  }
0x1: {  	(tag) =	ssettag $0x0;
	lr =	simm.s32 $0x1  }
0x2: {  	[smem:$0x3F97] =	sst lr;
	_ =	strace $0xD0000000  }
0x3: {  	_ = 	snop  }
0x4: {  	_ = 	snop  }
0x5: {  	_ = 	snop  }
0x6: {  	_ = 	snop  }
0x7: {  	_ = 	snop  }
__scs_overlays_trampoline_lowered:
0x8: {  	[smem:$0x3FA6] =	sst s0  }
0x9: {  	[smem:$0x3FA7] =	sst s1  }
0xa: {  	[smem:$0x3FA8] =	sst s2  }
0xb: {  	[smem:$0x3FA9] =	sst s3  }
0xc: {  	[smem:$0x3FAA] =	sst s4  }
0xd: {  	[smem:$0x3FAB] =	sst s5  }
0xe: {  	[smem:$0x3FAC] =	sst s6  }
0xf: {  	[smem:$0x3FAD] =	sst s7  }
0x10: {  	[smem:$0x3FAE] =	sst s8  }
0x11: {  	[smem:$0x3FAF] =	sst s9;
	s0 =	simm.s32 @!p0 $0x0  }
0x12: {  	s1 =	sld [smem:$0x3F95];
	s0 =	simm.s32 @p0 $0x1  }
0x13: {  	[smem:$0x3FB0] =	sst s0;
	s0 =	simm.s32 @!p1 $0x0  }
0x14: {  	s2 =	sld [smem:$0x3F94];
	s0 =	simm.s32 @p1 $0x1  }
0x15: {  	[smem:$0x3FB1] =	sst s0;
	s0 =	simm.s32 @!p2 $0x0  }
0x16: {  	s3 =	sld [smem:$0x3FDB];
	s0 =	simm.s32 @p2 $0x1  }
0x17: {  	s4 =	simm.s32 $0x1BF5;
	[smem:$0x3FB3] =	sst s0  }
0x18: {  	s0 =	sld [smem:$0x3F96];
	_ =	swait.ge [sflag:s4], $0x0  }
0x19: {  	s7 =	sld [smem:$0x3F97]  }
0x1a: {  	s8 =	sadd.s32 $0xFFFFE003, lr  }
0x1b: {  	s9 =	sadd.s32 $0xFFFFFEF7, lr;
	s5 =	simm.s32 $0xFFFFFFFF;
	p2 =	slt.u32 s8, $0xFFFFF086  }
0x1c: {  	p1 =	slt.u32 s9, $0xF7A;
	s5 =	simm.s32 @!p2 $0x0  }
0x1d: {  	s5 =	simm.s32 @p1 $0x1;
	p0 =	seq.s32 s7, s2  }
0x1e: {  	s7 =	smul.u32 @!p0 $0xF7A, s2;
	p2 =	seq.s32 @!p0 s5, $0x0  }
0x1f: {  	s9 =	smul.u32 $0xF7A, s1;
	s8 =	simm.s32 @!p0 $0x1BF5;
	p2 =	por !p2, p0  }
0x20: {  	[sflag:s8] =	ssyncset.s32 @!p0 $0xFFFFF086;
	s6 =	sadd.s32 @!p0 s3, s7;
	s7 =	simm.s32 @!p0 $0x108  }
0x21: {  	s3 =	sadd.s32 s3, s9;
	s6 =	sadd.s32 @!p0 $0x88, s6;
	s7 =	simm.s32 @p2 $0x1082  }
0x22: {  	[simem:s7], [sflag:s8] =	dma.local @!p0 [hbm:s6], $0xF7A  }
0x23: {  	s9 =	sor.u32 $0xD0000000, s2;
	s6 =	simm.s32 $0x108;
	_ =	swait.ge @!p0 [sflag:s8], $0x0  }
0x24: {  	s3 =	sadd.s32 $0x88, s3;
	s6 =	simm.s32 @!p1 $0x1082;
	[sflag:s4] =	ssyncset.s32 $0xFFFFF086  }
0x25: {  	[simem:s6], [sflag:s4] =	dma.local [hbm:s3], $0xF7A  }
0x26: {  	[smem:$0x3F97] =	sst s1;
	(tag) =	ssettag s2;
	_ =	strace s9  }
0x27: {  	s1 =	sld [smem:$0x3FA7]  }
0x28: {  	s2 =	sld [smem:$0x3FA8]  }
0x29: {  	s4 =	sld [smem:$0x3FAA]  }
0x2a: {  	p0 =	seq.s32 s5, $0x0;
	s5 =	sld [smem:$0x3FAB]  }
0x2b: {  	s6 =	sld [smem:$0x3FAC]  }
0x2c: {  	s7 =	sld [smem:$0x3FAD]  }
0x2d: {  	s3 =	simm.s32 $0x108;
	s8 =	sld [smem:$0x3FAE]  }
0x2e: {  	s3 =	simm.s32 @!p0 $0x1082;
	s9 =	sld [smem:$0x3FAF]  }
0x2f: {  	lr =	sadd.s32 s0, s3;
	s0 =	sld [smem:$0x3FA6]  }
0x30: {  	s3 =	sld [smem:$0x3FA9]  }
0x31: {  	[smem:$0x3FB2] =	sst s10  }
0x32: {  	s10 =	sld [smem:$0x3FB0];
	_ =	sdelay $0x3  }
0x33: {  	p0 =	seq.s32 s10, $0x1;
	s10 =	sld [smem:$0x3FB2];
	_ =	sdelay $0x3  }
0x34: {  	[smem:$0x3FB2] =	sst s10  }
0x35: {  	s10 =	sld [smem:$0x3FB1];
	_ =	sdelay $0x3  }
0x36: {  	p1 =	seq.s32 s10, $0x1;
	s10 =	sld [smem:$0x3FB2];
	_ =	sdelay $0x3  }
0x37: {  	[smem:$0x3FB2] =	sst s10  }
0x38: {  	s10 =	sld [smem:$0x3FB3]  }
0x39: {  	_ = 	snop;
	(pc) =	sbr.ind lr, $3  }
0x3a: {  	_ = 	snop  }
0x3b: {  	_ = 	snop  }
0x3c: {  	p2 =	seq.s32 s10, $0x1;
	s10 =	sld [smem:$0x3FB2]  }
0x3d: {  	_ =	shalt  }
0x3e: {  	_ =	shalt  }
0x3f: {  	_ =	shalt  }
0x40: {  	_ =	shalt  }
0x41: {  	_ =	shalt  }
0x42: {  	_ =	shalt  }
0x43: {  	_ =	shalt  }
0x44: {  	_ =	shalt  }
0x45: {  	_ =	shalt  }
0x46: {  	_ =	shalt  }
0x47: {  	_ =	shalt  }
0x48: {  	_ =	shalt  }
0x49: {  	_ =	shalt  }
0x4a: {  	_ =	shalt  }
0x4b: {  	_ =	shalt  }
0x4c: {  	_ =	shalt  }
0x4d: {  	_ =	shalt  }
0x4e: {  	_ =	shalt  }
0x4f: {  	_ =	shalt  }
0x50: {  	_ =	shalt  }
0x51: {  	_ =	shalt  }
0x52: {  	_ =	shalt  }
0x53: {  	_ =	shalt  }
0x54: {  	_ =	shalt  }
0x55: {  	_ =	shalt  }
0x56: {  	_ =	shalt  }
0x57: {  	_ =	shalt  }
0x58: {  	_ =	shalt  }
0x59: {  	_ =	shalt  }
0x5a: {  	_ =	shalt  }
0x5b: {  	_ =	shalt  }
0x5c: {  	_ =	shalt  }
0x5d: {  	_ =	shalt  }
0x5e: {  	_ =	shalt  }
0x5f: {  	_ =	shalt  }
0x60: {  	_ =	shalt  }
0x61: {  	_ =	shalt  }
0x62: {  	_ =	shalt  }
0x63: {  	_ =	shalt  }
0x64: {  	_ =	shalt  }
0x65: {  	_ =	shalt  }
0x66: {  	_ =	shalt  }
0x67: {  	_ =	shalt  }
0x68: {  	_ =	shalt  }
0x69: {  	_ =	shalt  }
0x6a: {  	_ =	shalt  }
0x6b: {  	_ =	shalt  }
0x6c: {  	_ =	shalt  }
0x6d: {  	_ =	shalt  }
0x6e: {  	_ =	shalt  }
0x6f: {  	_ =	shalt  }
0x70: {  	_ =	shalt  }
0x71: {  	_ =	shalt  }
0x72: {  	_ =	shalt  }
0x73: {  	_ =	shalt  }
0x74: {  	_ =	shalt  }
0x75: {  	_ =	shalt  }
0x76: {  	_ =	shalt  }
0x77: {  	_ =	shalt  }
0x78: {  	_ =	shalt  }
0x79: {  	_ =	shalt  }
0x7a: {  	_ =	shalt  }
0x7b: {  	_ =	shalt  }
0x7c: {  	_ =	shalt  }
0x7d: {  	_ =	shalt  }
0x7e: {  	_ =	shalt  }
0x7f: {  	_ =	shalt  }
0x80: {  	_ =	shalt  }
0x81: {  	_ =	shalt  }
0x82: {  	_ =	shalt  }
0x83: {  	_ =	shalt  }
0x84: {  	_ =	shalt  }
0x85: {  	_ =	shalt  }
0x86: {  	_ =	shalt  }
0x87: {  	_ =	shalt  }
.Lfunc_end0:
.L_simem_size_0:
called_computation_lowered:
.L_overlay_start_0:
0x88: {  	s2 =	sld [smem:$0x3FD9]  }
0x89: {  	s3 =	sld [smem:$0x3FFE];
	_ =	sdelay $0x1  }
0x8a: {  	s1 =	srdreg.scid  }
0x8b: {  	s0 =	sand.u32 $0x1, s1  }
0x8c: {  	s14 =	sshll.u32 s0, $0xA;
	s2 =	sadd.s32 s3, s2  }
0x8d: {  	s2 =	sadd.s32 s2, s14  }
0x8e: {  	[smem:$0x3FBE] =	sst s2  }
0x8f: {  	_ = 	snop  }
0x90: {  	s2 =	sld [smem:$0x3FD0];
	_ =	sdelay $0x2  }
0x91: {  	s15 =	simm.s32 $0xA;
	s4 =	simm.s32 $0x10  }
0x92: {  	[smem:s4], [sflag:s15] =	dma.local [hbm:s2], $0x1  }
0x93: {  	_ =	swait.eq [sflag:s15], $0x1  }
0x94: {  	[sflag:s15] =	ssyncset.done $0x0  }
0x95: {  	[sflag:s15] =	ssyncadd.s32 $0xFFFFFFFF  }
0x96: {  	s16 =	sld [smem:$0x11];
	(tm) =	ssettm $0x1  }
0x97: {  	s17 =	sld [smem:$0x3FFB];
	_ =	sdelay $0x3  }
0x98: {  	_ =	strace s17  }
0x99: {  	s3 =	sld [smem:$0x3FFC];
	_ =	sdelay $0x3  }
0x9a: {  	_ =	strace s3  }
0x9b: {  	s3 =	sld [smem:$0x3FFD];
	_ =	sdelay $0x3  }
0x9c: {  	_ =	strace s3  }
0x9d: {  	_ =	strace $0x8FFFFFFF  }
0x9e: {  	s18 =	sld [smem:$0x3FDB];
	_ =	sdelay $0x1  }
0x9f: {  	s19 =	simm.s32 $_scs_section_size  }
0xa0: {  	s5 =	simm.s32 $_size__tile_overlayer_lowered;
	s6 =	simm.s32 $_tile_overlayer_lowered  }
0xa1: {  	s22 =	simm.s32 $0x1BFF;
	s21 =	sshll.u32 s6, $0x1;
	s3 =	sadd.s32 s19, s18  }
0xa2: {  	s7 =	simm.s32 $0x0;
	s20 =	sshll.u32 s5, $0x1;
	s5 =	sadd.s32 s21, s3  }
0xa3: {  	[timem:s7], [sflag:s22] =	dma.local [hbm:s5], s20  }
0xa4: {  	_ =	swait.ge [sflag:s22], s20  }
0xa5: {  	s4 =	ssub.s32 $0x0, s20;
	[sflag:s22] =	ssyncset.done $0x0  }
0xa6: {  	[sflag:s22] =	ssyncadd.s32 s4;
	_ =	sdelay $0x1  }
0xa7: {  	s23 =	simm.s32 $0x1B8B  }
0xa8: {  	_ =	swait.ge [sflag:s23], $0x1  }
0xa9: {  	[sflag:s23] =	ssyncset.done $0x0  }
0xaa: {  	s25 =	simm.s32 $0x1B8E;
	s24 =	sld [smem:$0x3FFE];
	[sflag:s23] =	ssyncadd.s32 $0xFFFFFFFF  }
0xab: {  	s26 =	simm.s32 $execute0_lowered;
	[smem:$0x3FD2] =	sst s25  }
0xac: {  	s5 =	sshll.u32 s26, $0x1;
	_ =	strace $0x80000046;
	[dreg:$0x1] =	wrdreg $0xFFFFFFFF  }
0xad: {  	s28 =	simm.s32 $_size_execute0_lowered;
	s3 =	sadd.s32 s3, s5;
	[dreg:$0x0] =	wrdreg $0x0  }
0xae: {  	s5 =	sshll.u32 s28, $0x1;
	[dreg:$0x2] =	wrdreg s3  }
0xaf: {  	[dreg:$0x3] =	wrdreg s5  }
0xb0: {  	[dreg:$0x4] =	wrdreg $0xC0  }
0xb1: {  	_ =	task [dreg:s7], $0x5FFFF  }
0xb2: {  	[dreg:$0x1] =	wrdreg $0xFFFFFFFF  }
0xb3: {  	[dreg:$0x0] =	wrdreg $0x60  }
0xb4: {  	[dreg:$0x2] =	wrdreg s24  }
0xb5: {  	[dreg:$0x3] =	wrdreg s16  }
0xb6: {  	[dreg:$0x4] =	wrdreg $0x9  }
0xb7: {  	_ =	task.clear_ibuf [dreg:s7], $0x5FFFF;
	_ =	strace $0x90000046  }
0xb8: {  	s29 =	simm.s32 $0x9;
	_ =	strace $0x80000048  }
0xb9: {  	_ =	swait.ge [sflag:s29], $0x1  }
0xba: {  	[sflag:s29] =	ssyncadd.s32 $0xFFFFFFFF  }
0xbb: {  	_ =	strace $0x90000048  }
0xbc: {  	_ =	sfence  }
0xbd: {  	s30 =	sld [smem:$0x0];
	_ =	sdelay $0x2  }
0xbe: {  	s31 =	sshll.u32 s1, $0xD;
	s1 =	sshrl.u32 s1, $0x2  }
0xbf: {  	s3 =	sand.u32 $0x4000, s31;
	s1 =	sadd.s32 s1, s30  }
0xc0: {  	s0 =	sor.u32 s3, s0;
	s1 =	sshll.u32 s1, $0x11  }
0xc1: {  	s0 =	sor.u32 s1, s0  }
0xc2: {  	s0 =	sadd.s32 $0x8F2B, s0  }
0xc3: {  	[sflag:s0] =	ssyncadd.remote.s32 $0x1  }
0xc4: {  	_ =	sfence.sel $0xFFFF  }
0xc5: {  	[dreg:$0x0] =	wrdreg $0xFFFFFFFF;
	(pc) =	sbr.abs _section_cstart, $3  }
0xc6: {  	[dreg:$0x1] =	wrdreg $0xFFFFFFFF  }
0xc7: {  	_ =	task.clear_ibuf [dreg:s7], $0x2FFFF;
	_ =	strace $0x9FFFFFFF  }
0xc8: {  	(tm) =	ssettm $0x7FFFFFFF  }
0xc9: {  	_ =	shalt  }
tec
execute0_lowered:
.L_overlay_start_1:
0x0: {  	(tag) =	ssettag $0x1  }
0x1: {  	s3 =	rddreg [dreg:$0x0]  }
0x2: {  	s5 =	rddreg [dreg:$0x1];
	s2 =	srdreg.scid  }
0x3: {  	s0 =	rddreg [dreg:$0x2];
	s1 =	stileid.u32;
	s9 =	simm.s32 $0x4000  }
0x4: {  	s10 =	simm.s32 $0x0;
	s4 =	sand.u32 $0x1, s2;
	s2 =	simm.s32 $0x0  }
0x5: {  	s6 =	sshll.u32 s1, $0xB;
	s7 =	sshll.u32 s4, $0xA;
	s4 =	ssub.s32 $0x2, s4  }
0x6: {  	[smem:$0x7FF] =	sst s2;
	s6 =	sor.u32 s7, s6;
	s31 =	sshrl.u32 s4, $0x1  }
0x7: {  	_ =	strace $0x80000047;
	s7 =	sadd.s32 s6, s3;
	s8 =	ssub.s32 s4, s31  }
0x8: {  	s5 =	sadd.s32 s5, s6;
	s3 =	sadd.s32 $0x800, s7;
	s4 =	sadd.s32 $0x8800, s7  }
0x9: {  	s6 =	smax.u32 s8, $0x1;
	s7 =	simm.s32 $0x1;
	s8 =	simm.s32 $0x2000  }
.LBB2_1:
0xa: {  	[tilespmem:s2], [sflag:$0x1] =	stream.linear.gather [hbm4b:s3+s2], $0x2000, $0x38;
	[tilespmem:$0x6000] =	vst v63  }
0xb: {  	_ =	swait.ge [sflag:s7], $0x2000  }
0xc: {  	[sflag:s7] =	ssyncset.done $0x0  }
0xd: {  	[sflag:s7] =	ssyncadd.s32 $0xFFFFE000  }
0xe: {  	[tilespmem:s8], [sflag:$0x1] =	stream.linear.gather [hbm4b:s4+s2], $0x2000, $0x38;
	[tilespmem:$0x6000] =	vst v63  }
0xf: {  	_ =	swait.ge [sflag:s7], $0x2000  }
0x10: {  	[sflag:s7] =	ssyncset.done $0x0  }
0x11: {  	s11 =	simm.s32 $0x0;
	[sflag:s7] =	ssyncadd.s32 $0xFFFFE000  }
0x12: {  	v0 =	vld [tilespmem:s11+$0x0]  }
0x13: {  	s12 =	simm.s32 $0x40;
	v1 =	vld [tilespmem:s11+$0x2000]  }
.LBB2_2:
0x14: {  	_ = 	snop  }
0x15: {  	p0 =	sne.s32 s12, $0x7FC0  }
.Ltmp0:
0x16: {  	_ = 	snop;
	(pc) =	sbr.rel @p0 .LBB2_2-.Ltmp0, $4  }
0x17: {  	vm0 =	vgt.f32 v0, $1.000000010e-01;
	vm1 =	vlt.f32 v0, $1.000000000e+01  }
0x18: {  	s13 =	sshra.s32 s12, $0x2;
	vm0 =	vmand vm0, vm1  }
0x19: {  	v0 =	vld [tilespmem:s13+$0x0];
	v2 =	vnsel vm0, $0x0, v1  }
0x1a: {  	s12 =	sadd.s32 $0x40, s12;
	v1 =	vld [tilespmem:s13+$0x2000];
	[tilespmem:s11+$0x4000] =	vst v2;
	s11 =	smov.u32 s13  }
0x1b: {  	_ =	sdelay $0x2  }
0x1c: {  	vm0 =	vgt.f32 v0, $1.000000010e-01;
	vm1 =	vlt.f32 v0, $1.000000000e+01  }
0x1d: {  	s10 =	sadd.s32 $0x1, s10;
	vm0 =	vmand vm0, vm1  }
0x1e: {  	p0 =	sne.s32 s10, s6;
	v63 =	vnsel vm0, $0x0, v1  }
.Ltmp1:
0x1f: {  	[tilespmem:s11+$0x4000] =	vst v63;
	(pc) =	sbr.rel @p0 .LBB2_1-.Ltmp1, $4  }
0x20: {  	[hbm4b:s5+s2] =	stream.linear.scatter [tilespmem:s9], [sflag:$0x1], $0x2000, $0x38;
	[tilespmem:$0x6000] =	vst v63  }
0x21: {  	_ =	swait.ge [sflag:s7], $0x2000  }
0x22: {  	[sflag:s7] =	ssyncset.done $0x0  }
0x23: {  	[sflag:s7] =	ssyncadd.s32 $0xFFFFE000  }
0x24: {  	_ =	sfence.sel $0x180000  }
0x25: {  	[bflag:$0x0] =	sbarrier.arrive $0xFFFF  }
0x26: {  	p0 =	sne.s32 s1, $0x0;
	_ =	strace $0x90000047  }
0x27: {  	s0 =	sadd.s32 @!p0 $0x100000, s0;
	[bflag:$0x2] =	sbarrier.arrive $0xFFFF  }
0x28: {  	[sflag:s0] =	ssyncadd.tile.s32 @!p0 $0x1;
	_ =	shalt  }
.Lfunc_end2:
_tile_overlayer_lowered:
.L_overlay_start_2:
0x29: {  	(tag) =	ssettag $0x2  }
0x2a: {  	s0 =	rddreg [dreg:$0x0];
	s2 =	stileid.u32  }
0x2b: {  	s1 =	rddreg [dreg:$0x1];
	p0 =	sne.s32 s2, $0x0  }
0x2c: {  	s3 =	rddreg [dreg:$0x2];
	[bflag:$0x3] =	sbarrier.arrive $0xFFFF;
	s2 =	simm.s32 @!p0 $0x1C01  }
0x2d: {  	[timem:s3], [sflag:s2] =	dma.local @!p0 [hbm:s0], s1  }
0x2e: {  	s0 =	simm.s32 @!p0 $0x1  }
0x2f: {  	_ =	swait.ge @!p0 [sflag:s0], s1  }
0x30: {  	s1 =	ssub.s32 @!p0 $0x0, s1;
	[sflag:s0] =	ssyncset.done @!p0 $0x0  }
0x31: {  	[sflag:s0] =	ssyncadd.s32 @!p0 s1  }
0x32: {  	[bflag:$0x3] =	sbarrier.arrive $0xFFFF  }
0x33: {  	_ =	shalt  }

</sc_bundles>
